<compile_context>
chip_gen: v7x
topology: tpu7x:2x2x1
jax: 0.10.2.dev20260603
libtpu: 0.0.44.dev20260713+nightly
codegen_flags: <defaults>
</compile_context>

<pallas_src>
import numpy as np

import jax
import jax.numpy as jnp
from jax.experimental import pallas as pl
from jax.experimental.pallas import tpu as pltpu

_B = 128
_V = 100000
_ROWS_PER_BLOCK = 8


def _gumbel_weights_np(n):
    i = np.arange(n, dtype=np.uint32)
    k1 = np.uint32(0)
    k2 = np.uint32(42)
    k3 = k1 ^ k2 ^ np.uint32(0x1BD11BDA)
    ks = (k1, k2, k3)
    rot_a = (13, 15, 26, 6)
    rot_b = (17, 29, 16, 24)

    def rotl(x, d):
        return (x << np.uint32(d)) | (x >> np.uint32(32 - d))

    def four_rounds(x0, x1, rots):
        for r in rots:
            x0 = x0 + x1
            x1 = x0 ^ rotl(x1, r)
        return x0, x1

    with np.errstate(over="ignore"):
        x0 = np.zeros(n, np.uint32) + ks[0]
        x1 = i + ks[1]
        x0, x1 = four_rounds(x0, x1, rot_a)
        x0 = x0 + ks[1]
        x1 = x1 + ks[2] + np.uint32(1)
        x0, x1 = four_rounds(x0, x1, rot_b)
        x0 = x0 + ks[2]
        x1 = x1 + ks[0] + np.uint32(2)
        x0, x1 = four_rounds(x0, x1, rot_a)
        x0 = x0 + ks[0]
        x1 = x1 + ks[1] + np.uint32(3)
        x0, x1 = four_rounds(x0, x1, rot_b)
        x0 = x0 + ks[1]
        x1 = x1 + ks[2] + np.uint32(4)
        x0, x1 = four_rounds(x0, x1, rot_a)
        x0 = x0 + ks[2]
        x1 = x1 + ks[0] + np.uint32(5)
    bits = x0 ^ x1

    tiny = np.float32(np.finfo(np.float32).tiny)
    fb = (bits >> np.uint32(9)) | np.uint32(0x3F800000)
    f = fb.view(np.float32) - np.float32(1.0)
    u = np.maximum(tiny, f * (np.float32(1.0) - tiny) + tiny)
    w = -1.0 / np.log(u.astype(np.float64))
    return w.astype(np.float32)


_W = _gumbel_weights_np(_B * _V).reshape(_B, _V)


def _sample_kernel(probs_ref, w_ref, p_ref, act_ref):
    x = probs_ref[...]

    s = jnp.sum(x, axis=1, keepdims=True)
    s = jnp.where(s == 0.0, 1.0, s)
    p_ref[...] = x * (1.0 / s)

    t = x * w_ref[...]
    tmax = jnp.max(t, axis=1, keepdims=True)
    ci = jax.lax.broadcasted_iota(jnp.int32, x.shape, 1)
    cand = jnp.where(t == tmax, ci, jnp.int32(_V))
    act_ref[...] = jnp.min(cand, axis=1, keepdims=True)


@jax.jit
def _run(probs, w):
    x2d = probs.reshape(_B, _V)
    grid = (_B // _ROWS_PER_BLOCK,)
    p2d, act = pl.pallas_call(
        _sample_kernel,
        grid=grid,
        in_specs=[
            pl.BlockSpec((_ROWS_PER_BLOCK, _V), lambda i: (i, 0)),
            pl.BlockSpec((_ROWS_PER_BLOCK, _V), lambda i: (i, 0)),
        ],
        out_specs=[
            pl.BlockSpec((_ROWS_PER_BLOCK, _V), lambda i: (i, 0)),
            pl.BlockSpec((_ROWS_PER_BLOCK, 1), lambda i: (i, 0)),
        ],
        out_shape=[
            jax.ShapeDtypeStruct((_B, _V), jnp.float32),
            jax.ShapeDtypeStruct((_B, 1), jnp.int32),
        ],
        compiler_params=pltpu.CompilerParams(
            dimension_semantics=("parallel",),
        ),
    )(x2d, w)
    return p2d.reshape(_B, 1, _V), act


_W_DEV = None


def kernel(probs):
    global _W_DEV
    if _W_DEV is None:
        _W_DEV = jax.device_put(jnp.asarray(_W))
    return _run(probs, _W_DEV)

# --- scband reference (transcript-rebuilt; emitter-appended) ---
"""Pipeline reference for scband-gflow-net-25958782337855 (READ-ONLY COPY).

The authoritative reference and input builder live on the scoring server;
editing this copy changes nothing except your own understanding.
"""

import jax, jax.numpy as jnp
import numpy as np


def setup_inputs(seed: int = 0) -> dict:
    key = jax.random.key(seed)
    # N=128 trajectory samples, 1 policy head, 100000-way action space.
    # Non-negative un-normalized action probabilities (as produced by a
    # softmax-style forward_policy head in the original code).
    probs = jax.random.uniform(key, (128, 1, 100000), dtype=jnp.float32)
    return {"probs": probs}


def reference(probs):
    # Faithful to GFlowNet.forward_probs / mask_and_normalize sampling core:
    #   mask = torch.ones_like(all_probs); all_probs.mul_(mask)
    #   summed_probs = all_probs.sum(2); summed_probs[summed_probs == 0] = 1
    #   all_probs.div_(summed_probs.unsqueeze(1))
    #   actions = Categorical(all_probs).sample()
    mask = jnp.ones_like(probs)
    p = probs * mask
    summed = p.sum(axis=2)                       # [B, 1]
    summed = jnp.where(summed == 0, 1.0, summed)
    p = p / jnp.expand_dims(summed, 1)           # unsqueeze(1) -> [B, 1, 1] broadcast
    # Categorical sampling over the last (action) axis
    logits = jnp.log(p)
    actions = jax.random.categorical(jax.random.key(42), logits, axis=-1)  # [B, 1]
    return p, actions

if __name__ == "__main__":
    import jax
    _d = setup_inputs()
    print(jax.jit(kernel)(*tuple(_d.values())))

</pallas_src>

<mosaic_0001>
module attributes {stable_mosaic.version = 14 : i64} {
  func.func @_sample_kernel(%arg0: i32, %arg1: memref<8x100000xf32, #tpu.memory_space<vmem>>, %arg2: memref<8x100000xf32, #tpu.memory_space<vmem>>, %arg3: memref<8x100000xf32, #tpu.memory_space<vmem>>, %arg4: memref<8x1xi32, #tpu.memory_space<vmem>>) attributes {dimension_semantics = [#tpu.dimension_semantics<parallel>], iteration_bounds = array<i64: 16>, scalar_prefetch = 0 : i64, scratch_operands = 0 : i64, tpu.core_type = #tpu.core_type<tc>, window_params = [{transform_indices = @transform_0, window_bounds = array<i64: 8, 100000>}, {transform_indices = @transform_1, window_bounds = array<i64: 8, 100000>}, {transform_indices = @transform_2, window_bounds = array<i64: 8, 100000>}, {transform_indices = @transform_3, window_bounds = array<i64: 8, 1>}]} {
    %get3A = arith.constant 0 : index
    %get3A_0 = arith.constant 0 : index
    %get3A_1 = vector.load %arg1[%get3A, %get3A_0] : memref<8x100000xf32, #tpu.memory_space<vmem>>, vector<8x100000xf32>
    %reduce_sum3A = arith.constant dense<0.000000e+00> : vector<8xf32>
    %reduce_sum3A_2 = vector.multi_reduction <add>, %get3A_1, %reduce_sum3A [1] : vector<8x100000xf32> to vector<8xf32>
    %broadcast_in_dim3A = vector.shape_cast %reduce_sum3A_2 : vector<8xf32> to vector<8x1xf32>
    %eq3A = arith.constant 0.000000e+00 : f32
    %eq3A_3 = vector.broadcast %eq3A : f32 to vector<8x1xf32>
    %eq3A_4 = arith.cmpf oeq, %broadcast_in_dim3A, %eq3A_3 : vector<8x1xf32>
    %jit3A = arith.constant 1.000000e+00 : f32
    %broadcast_in_dim3A_5 = vector.broadcast %jit3A : f32 to vector<8x1xf32>
    %select_n3A = arith.select %eq3A_4, %broadcast_in_dim3A_5, %broadcast_in_dim3A : vector<8x1xi1>, vector<8x1xf32>
    %div3A = arith.constant 1.000000e+00 : f32
    %div3A_6 = vector.broadcast %div3A : f32 to vector<8x1xf32>
    %div3A_7 = arith.divf %div3A_6, %select_n3A : vector<8x1xf32>
    %mul3A = vector.broadcast %div3A_7 : vector<8x1xf32> to vector<8x100000xf32>
    %mul3A_8 = arith.mulf %get3A_1, %mul3A : vector<8x100000xf32>
    %swap3A = arith.constant 0 : index
    %swap3A_9 = arith.constant 0 : index
    %swap3A_10 = vector.load %arg3[%swap3A, %swap3A_9] : memref<8x100000xf32, #tpu.memory_space<vmem>>, vector<8x100000xf32>
    tpu.vector_store %arg3[%swap3A, %swap3A_9], %mul3A_8 {strides = array<i32>} : memref<8x100000xf32, #tpu.memory_space<vmem>>, vector<8x100000xf32>,
    %get3A_11 = arith.constant 0 : index
    %get3A_12 = arith.constant 0 : index
    %get3A_13 = vector.load %arg2[%get3A_11, %get3A_12] : memref<8x100000xf32, #tpu.memory_space<vmem>>, vector<8x100000xf32>
    %mul3A_14 = arith.mulf %get3A_1, %get3A_13 : vector<8x100000xf32>
    %reduce_max3A = arith.constant dense<0xFF800000> : vector<8xf32>
    %reduce_max3A_15 = vector.multi_reduction <maximumf>, %mul3A_14, %reduce_max3A [1] : vector<8x100000xf32> to vector<8xf32>
    %broadcast_in_dim3A_16 = vector.shape_cast %reduce_max3A_15 : vector<8xf32> to vector<8x1xf32>
    %iota3A = tpu.iota {dimensions = array<i32: 1>} : vector<8x100000xi32>
    %eq3A_17 = vector.broadcast %broadcast_in_dim3A_16 : vector<8x1xf32> to vector<8x100000xf32>
    %eq3A_18 = arith.cmpf oeq, %mul3A_14, %eq3A_17 : vector<8x100000xf32>
    %jit3A_19 = arith.constant 100000 : i32
    %broadcast_in_dim3A_20 = vector.broadcast %jit3A_19 : i32 to vector<8x100000xi32>
    %select_n3A_21 = arith.select %eq3A_18, %iota3A, %broadcast_in_dim3A_20 : vector<8x100000xi1>, vector<8x100000xi32>
    %reduce_min3A = arith.constant dense<2147483647> : vector<8xi32>
    %reduce_min3A_22 = vector.multi_reduction <minsi>, %select_n3A_21, %reduce_min3A [1] : vector<8x100000xi32> to vector<8xi32>
    %broadcast_in_dim3A_23 = vector.shape_cast %reduce_min3A_22 : vector<8xi32> to vector<8x1xi32>
    %swap3A_24 = arith.constant 0 : index
    %swap3A_25 = arith.constant 0 : index
    %swap3A_26 = vector.load %arg4[%swap3A_24, %swap3A_25] : memref<8x1xi32, #tpu.memory_space<vmem>>, vector<8x1xi32>
    tpu.vector_store %arg4[%swap3A_24, %swap3A_25], %broadcast_in_dim3A_23 {strides = array<i32>} : memref<8x1xi32, #tpu.memory_space<vmem>>, vector<8x1xi32>,
    return
  }
  func.func @transform_0(%arg0: i32) -> (i32, i32) {
    %c0_i32 = arith.constant 0 : i32
    %c0_i32_0 = arith.constant 0 : i32
    return %arg0, %c0_i32 : i32, i32
  }
  func.func @transform_1(%arg0: i32) -> (i32, i32) {
    %c0_i32 = arith.constant 0 : i32
    %c0_i32_0 = arith.constant 0 : i32
    return %arg0, %c0_i32 : i32, i32
  }
  func.func @transform_2(%arg0: i32) -> (i32, i32) {
    %c0_i32 = arith.constant 0 : i32
    %c0_i32_0 = arith.constant 0 : i32
    return %arg0, %c0_i32 : i32, i32
  }
  func.func @transform_3(%arg0: i32) -> (i32, i32) {
    %c0_i32 = arith.constant 0 : i32
    %c0_i32_0 = arith.constant 0 : i32
    return %arg0, %c0_i32 : i32, i32
  }
}

</mosaic_0001>

<sc_bundles>
// kernel: sparse-core-data-format-call.cloned.1.call-start
scs
called_computation_lowered:
.L_overlay_start_0:
0x0: {  	s2 =	sld [smem:$0x3FD9]  }
0x1: {  	s3 =	sld [smem:$0x3FFE];
	_ =	sdelay $0x1  }
0x2: {  	s1 =	srdreg.scid  }
0x3: {  	s0 =	sand.u32 $0x1, s1  }
0x4: {  	s15 =	sshll.u32 s0, $0xA;
	s2 =	sadd.s32 s3, s2  }
0x5: {  	s2 =	sadd.s32 s2, s15  }
0x6: {  	[smem:$0x3FC6] =	sst s2  }
0x7: {  	_ = 	snop  }
0x8: {  	s2 =	sld [smem:$0x3FD0];
	_ =	sdelay $0x2  }
0x9: {  	s16 =	simm.s32 $0xA;
	s4 =	simm.s32 $0x10  }
0xa: {  	[smem:s4], [sflag:s16] =	dma.local [hbm:s2], $0x1  }
0xb: {  	_ =	swait.eq [sflag:s16], $0x1  }
0xc: {  	[sflag:s16] =	ssyncset.done $0x0  }
0xd: {  	[sflag:s16] =	ssyncadd.s32 $0xFFFFFFFF  }
0xe: {  	s17 =	sld [smem:$0x10];
	(tm) =	ssettm $0x1  }
0xf: {  	s18 =	sld [smem:$0x3FFB];
	_ =	sdelay $0x3  }
0x10: {  	_ =	strace s18  }
0x11: {  	s3 =	sld [smem:$0x3FFC];
	_ =	sdelay $0x3  }
0x12: {  	_ =	strace s3  }
0x13: {  	s3 =	sld [smem:$0x3FFD];
	_ =	sdelay $0x3  }
0x14: {  	_ =	strace s3  }
0x15: {  	_ =	strace $0x8FFFFFFF  }
0x16: {  	s19 =	sld [smem:$0x3FDB];
	_ =	sdelay $0x1  }
0x17: {  	s20 =	simm.s32 $_scs_section_size  }
0x18: {  	s5 =	simm.s32 $_size__tile_overlayer_lowered;
	s6 =	simm.s32 $_tile_overlayer_lowered  }
0x19: {  	s23 =	simm.s32 $0x1BFF;
	s22 =	sshll.u32 s6, $0x1;
	s3 =	sadd.s32 s20, s19  }
0x1a: {  	s7 =	simm.s32 $0x0;
	s21 =	sshll.u32 s5, $0x1;
	s5 =	sadd.s32 s22, s3  }
0x1b: {  	[timem:s7], [sflag:s23] =	dma.local [hbm:s5], s21  }
0x1c: {  	_ =	swait.ge [sflag:s23], s21  }
0x1d: {  	s4 =	ssub.s32 $0x0, s21;
	[sflag:s23] =	ssyncset.done $0x0  }
0x1e: {  	[sflag:s23] =	ssyncadd.s32 s4;
	_ =	sdelay $0x1  }
0x1f: {  	s24 =	simm.s32 $0x1B8B  }
0x20: {  	_ =	swait.ge [sflag:s24], $0x1  }
0x21: {  	[sflag:s24] =	ssyncset.done $0x0  }
0x22: {  	s26 =	simm.s32 $0x1B8E;
	s25 =	sld [smem:$0x3FFE];
	[sflag:s24] =	ssyncadd.s32 $0xFFFFFFFF  }
0x23: {  	s27 =	simm.s32 $execute0_lowered;
	[smem:$0x3FD2] =	sst s26  }
0x24: {  	s5 =	sshll.u32 s27, $0x1;
	_ =	strace $0x80000046;
	[dreg:$0x1] =	wrdreg $0xFFFFFFFF  }
0x25: {  	s28 =	simm.s32 $_size_execute0_lowered;
	s3 =	sadd.s32 s3, s5;
	[dreg:$0x0] =	wrdreg $0x0  }
0x26: {  	s5 =	sshll.u32 s28, $0x1;
	[dreg:$0x2] =	wrdreg s3  }
0x27: {  	[dreg:$0x3] =	wrdreg s5  }
0x28: {  	[dreg:$0x4] =	wrdreg $0xC0  }
0x29: {  	_ =	task [dreg:s7], $0x5FFFF  }
0x2a: {  	[dreg:$0x1] =	wrdreg $0xFFFFFFFF  }
0x2b: {  	[dreg:$0x0] =	wrdreg $0x60  }
0x2c: {  	[dreg:$0x2] =	wrdreg s25  }
0x2d: {  	[dreg:$0x3] =	wrdreg s17  }
0x2e: {  	[dreg:$0x4] =	wrdreg $0x9  }
0x2f: {  	_ =	task.clear_ibuf [dreg:s7], $0x5FFFF;
	_ =	strace $0x90000046  }
0x30: {  	s29 =	simm.s32 $0x9;
	_ =	strace $0x80000048  }
0x31: {  	_ =	swait.ge [sflag:s29], $0x1  }
0x32: {  	[sflag:s29] =	ssyncadd.s32 $0xFFFFFFFF  }
0x33: {  	_ =	strace $0x90000048  }
0x34: {  	_ =	sfence  }
0x35: {  	s30 =	sld [smem:$0x0];
	_ =	sdelay $0x2  }
0x36: {  	s31 =	sshll.u32 s1, $0xD;
	s1 =	sshrl.u32 s1, $0x2  }
0x37: {  	s3 =	sand.u32 $0x4000, s31;
	s1 =	sadd.s32 s1, s30  }
0x38: {  	s0 =	sor.u32 s3, s0;
	s1 =	sshll.u32 s1, $0x11  }
0x39: {  	s0 =	sor.u32 s1, s0  }
0x3a: {  	s0 =	sadd.s32 $0x8F2B, s0  }
0x3b: {  	[sflag:s0] =	ssyncadd.remote.s32 $0x1  }
0x3c: {  	_ =	sfence.sel $0xFFFF  }
0x3d: {  	[dreg:$0x0] =	wrdreg $0xFFFFFFFF;
	(pc) =	sbr.abs _section_cstart, $3  }
0x3e: {  	[dreg:$0x1] =	wrdreg $0xFFFFFFFF  }
0x3f: {  	_ =	task.clear_ibuf [dreg:s7], $0x2FFFF;
	_ =	strace $0x9FFFFFFF  }
0x40: {  	(tm) =	ssettm $0x7FFFFFFF  }
0x41: {  	_ =	shalt  }
tec
execute0_lowered:
.L_overlay_start_1:
0x0: {  	(tag) =	ssettag $0x1  }
0x1: {  	s4 =	rddreg [dreg:$0x0]  }
0x2: {  	s0 =	srdreg.scid;
	s2 =	rddreg [dreg:$0x1]  }
0x3: {  	s1 =	stileid.u32;
	s5 =	simm.s32 $0x1;
	s7 =	simm.s32 $0x2  }
0x4: {  	s14 =	simm.s32 $0x0;
	p0 =	por $0x0, $0x0;
	s0 =	sshll.u32 s0, $0x4  }
0x5: {  	s13 =	simm.s32 $0x0;
	s8 =	simm.s32 $0x0;
	s3 =	sand.u32 $0x10, s0  }
.Ltmp0:
0x6: {  	s9 =	simm.s32 $0x0;
	s3 =	sor.u32 s1, s3;
	(pc) =	sbr.rel .LBB1_1-.Ltmp0, $4  }
0x7: {  	s11 =	simm.s32 $0x0;
	s12 =	simm.s32 $0x0;
	s3 =	sshll.u32 s3, $0x7  }
0x8: {  	s0 =	rddreg [dreg:$0x2];
	_ =	strace $0x80000047;
	s6 =	ssub.s32 $0x18680, s3  }
0x9: {  	s4 =	sadd.s32 $0x30E600, s4;
	[sflag:s5] =	ssyncpa.u1 $0x0;
	s6 =	sshrl.u32 s6, $0xC  }
0xa: {  	[sflag:s7] =	ssyncpa.u1 $0x0;
	s10 =	smov.u32 s3;
	s7 =	sadd.s32 $0x2, s6  }
.LBB1_5:
0xb: {  	p1 =	slt.u32 s12, $0x2  }
0xc: {  	p2 =	sgt.s32 @!p1 s14, $0x18620  }
0xd: {  	s15 =	smov.u32 s14;
	s16 =	sshra.s32 @!p1 s14, $0x1F;
	p2 =	por !p2, p1  }
0xe: {  	s14 =	sand.u32 @!p1 s16, s14;
	s15 =	simm.s32 @p2 $0x18620  }
0xf: {  	s14 =	ssub.s32 @!p1 s15, s14;
	s15 =	ssub.s32 @!p1 $0x0, s13  }
0x10: {  	s17 =	smov.u32 s11;
	s16 =	sadd.s32 @!p1 $0xFFFE79E0, s14;
	s13 =	smin.u32 @!p1 s13, s15  }
0x11: {  	s14 =	ssub.s32 @!p1 $0x186A0, s14;
	p2 =	sgt.s32 @!p1 s16, $0x7F;
	p3 =	sgt.s32 @!p1 s13, $0x7F  }
0x12: {  	s13 =	ssub.s32 @!p1 $0x80, s13;
	p2 =	por !p2, p1;
	p3 =	por !p3, p1  }
0x13: {  	s15 =	sadd.s32 $0x1000, s10;
	s14 =	simm.s32 @!p2 $0x0;
	s13 =	simm.s32 @!p3 $0x0  }
0x14: {  	p2 =	sgt.s32 s15, $0x1869F;
	s13 =	smul.u32 @!p1 s13, s14;
	s14 =	sadd.s32 $0x80, s11  }
0x15: {  	s17 =	smov.u32 @p2 s14  }
0x16: {  	s15 =	smov.u32 @p2 s3;
	p2 =	sgt.s32 s17, $0x7F  }
0x17: {  	s17 =	simm.s32 @p2 $0x0;
	p2 =	sne.s32 s12, s7  }
.Ltmp1:
0x18: {  	p0 =	por !p0, !p0;
	s16 =	simm.s32 @!p1 $0x2;
	(pc) =	sbr.rel @!p2 .LBB1_6-.Ltmp1, $4  }
0x19: {  	s14 =	smov.u32 s8;
	s8 =	smov.u32 s10;
	s13 =	sand.u32 @!p1 $0x3FFFFFFF, s13  }
0x1a: {  	s10 =	smov.u32 s15;
	_ =	swait.ge @!p1 [sflag:s16], s13;
	s18 =	ssub.s32 @!p1 $0x0, s13  }
0x1b: {  	s13 =	smov.u32 s9;
	s12 =	sadd.s32 $0x1, s12;
	[sflag:s16] =	ssyncset.done @!p1 $0x0  }
0x1c: {  	s9 =	smov.u32 s11;
	s11 =	smov.u32 s17;
	[sflag:s16] =	ssyncadd.s32 @!p1 s18  }
.LBB1_1:
0x1d: {  	p1 =	sgt.u32 s12, s6  }
0x1e: {  	s15 =	sshrl.u32 @!p1 s11, $0x3  }
0x1f: {  	s16 =	sshll.u32 @!p1 s10, $0x3;
	s15 =	smul.u32 @!p1 $0xC3800, s15  }
0x20: {  	s17 =	sshll.u32 @!p1 s11, $0x7;
	s16 =	sand.u32 @!p1 $0xFFFFFC00, s16  }
0x21: {  	s15 =	sadd.s32 @!p1 s15, s16;
	s16 =	sand.u32 @!p1 $0x380, s17  }
0x22: {  	s17 =	sand.u32 @!p1 $0x7F, s10;
	s15 =	sor.u32 @!p1 s16, s15  }
0x23: {  	s16 =	sor.u32 @!p1 s17, s15  }
0x24: {  	s17 =	smulhi.u32 @!p1 $0xA79C7B17, s16;
	_ =	sdelay $0x1  }
0x25: {  	s15 =	smulhi.u32 @!p1 $0xA79C7B17, s15;
	s17 =	sshrl.u32 @!p1 s17, $0x10  }
0x26: {  	s17 =	smul.u32 @!p1 $0x18700, s17  }
0x27: {  	s18 =	sxor.u32 @!p1 $0xFFFFFFFF, s12;
	s15 =	sshrl.u32 @!p1 s15, $0x10  }
0x28: {  	s18 =	sshll.u32 @!p1 s18, $0xE;
	s15 =	sand.u32 @!p1 $0x7F, s15;
	s16 =	ssub.s32 @!p1 s16, s17  }
0x29: {  	s15 =	smul.u32 @!p1 $0x30E0, s15;
	s17 =	sshrl.u32 @!p1 s16, $0x3;
	s16 =	sand.u32 @!p1 $0x7, s16  }
0x2a: {  	s18 =	sand.u32 @!p1 $0x4000, s18;
	s17 =	sadd.s32 @!p1 s4, s17;
	s16 =	sshll.u32 @!p1 s16, $0x12  }
0x2b: {  	s15 =	sadd.s32 @!p1 s15, s17;
	s16 =	sor.u32 @!p1 $0x400, s16;
	s17 =	simm.s32 @!p1 $0xC3800  }
0x2c: {  	[tilespmem:s18], [sflag:$0x1] =	stream.strided.gather @!p1 [hbm4b:s15+s16], $0x4000, s17, s16, $0x38;
	[tilespmem:$0x10100] =	vst v63  }
0x2d: {  	p1 =	seq.s32 s12, $0x0  }
0x2e: {  	p2 =	sge.u32 @!p1 s12, s7  }
0x2f: {  	p1 =	por p1, p2  }
.Ltmp2:
0x30: {  	_ = 	snop;
	(pc) =	sbr.rel @p1 .LBB1_5-.Ltmp2, $1  }
0x31: {  	_ =	sdelay $0x3  }
0x32: {  	s15 =	simm.s32 $0x1  }
0x33: {  	_ =	swait.ge [sflag:s5], $0x4000;
	s15 =	simm.s32 @!p0 $0x0  }
0x34: {  	[sflag:s5] =	ssyncset.done $0x0;
	s16 =	sshll.u32 s15, $0xE  }
0x35: {  	[sflag:s5] =	ssyncadd.s32 $0xFFFFC000;
	s16 =	sor.u32 $0x40, s16  }
0x36: {  	s15 =	smul.u32 $0x10200, s15;
	v0 =	vld [tilespmem:s16+$0x30]  }
0x37: {  	v1 =	vld [tilespmem:s16+$0xFFFFFFD0]  }
0x38: {  	s15 =	sshrl.u32 s15, $0x2;
	v5 =	vld [tilespmem:s16+$0xFFFFFFE0]  }
0x39: {  	v6 =	vld [tilespmem:s16+$0xFFFFFFF0];
	s18 =	sor.u32 $0x8000, s15  }
0x3a: {  	s31 =	sand.u32 $0x1, s12;
	v4 =	vld [tilespmem:s16+$0x0];
	s17 =	sadd.s32 $0x0, s18  }
0x3b: {  	v3 =	vld [tilespmem:s16+$0x10];
	s15 =	smul.u32 $0x10200, s31;
	[tilespmem:s17+$0x3870 ss:$0x81] =	vst.msk $0xffff, v0  }
0x3c: {  	v2 =	vld [tilespmem:s16+$0x20];
	[tilespmem:s17+$0x810 ss:$0x81] =	vst.msk $0xffff, v1  }
0x3d: {  	s15 =	sshrl.u32 s15, $0x2;
	v0 =	vld [tilespmem:s16+$0xFFFFFFC0];
	[tilespmem:s17+$0x1020 ss:$0x81] =	vst.msk $0xffff, v5;
	s16 =	sadd.s32 $0x80, s16  }
0x3e: {  	s19 =	simm.s32 $0x4;
	s20 =	simm.s32 $0x8;
	s15 =	sor.u32 $0x8000, s15;
	[tilespmem:s17+$0x1830 ss:$0x81] =	vst.msk $0xffff, v6;
	v1 =	vld [tilespmem:s16+$0x30]  }
.LBB1_3:
0x3f: {  	p1 =	sne.s32 s20, $0x1FC;
	v5 =	vld [tilespmem:s16+$0xFFFFFFD0];
	[tilespmem:s17+$0x2040 ss:$0x81] =	vst.msk $0xffff, v4  }
0x40: {  	v6 =	vld [tilespmem:s16+$0xFFFFFFE0];
	[tilespmem:s17+$0x2850 ss:$0x81] =	vst.msk $0xffff, v3  }
0x41: {  	s21 =	sshra.s32 s19, $0x2;
	s19 =	smov.u32 s20;
	v7 =	vld [tilespmem:s16+$0xFFFFFFF0];
	[tilespmem:s17+$0x3060 ss:$0x81] =	vst.msk $0xffff, v2  }
.Ltmp3:
0x42: {  	v4 =	vld [tilespmem:s16+$0x0];
	[tilespmem:s17+$0x0 ss:$0x81] =	vst.msk $0xffff, v0;
	s17 =	sadd.s32 s21, s18;
	(pc) =	sbr.rel @p1 .LBB1_3-.Ltmp3, $4  }
0x43: {  	v3 =	vld [tilespmem:s16+$0x10];
	[tilespmem:s17+$0x3870 ss:$0x81] =	vst.msk $0xffff, v1  }
0x44: {  	[tilespmem:s17+$0x810 ss:$0x81] =	vst.msk $0xffff, v5;
	v2 =	vld [tilespmem:s16+$0x20]  }
0x45: {  	v0 =	vld [tilespmem:s16+$0xFFFFFFC0];
	[tilespmem:s17+$0x1020 ss:$0x81] =	vst.msk $0xffff, v6;
	s16 =	sadd.s32 $0x80, s16  }
0x46: {  	s20 =	sadd.s32 $0x4, s20;
	v1 =	vld [tilespmem:s16+$0x30];
	[tilespmem:s17+$0x1830 ss:$0x81] =	vst.msk $0xffff, v7  }
0x47: {  	s20 =	sshll.u32 s8, $0x7;
	s21 =	sshll.u32 s9, $0x3;
	s19 =	sshra.s32 s19, $0x2  }
0x48: {  	v5 =	vld [tilespmem:s16+$0xFFFFFFD0];
	[tilespmem:s17+$0x2040 ss:$0x81] =	vst.msk $0xffff, v4;
	p1 =	sgt.s32 s8, $0x18620;
	s22 =	sand.u32 $0xFFFFFC00, s20;
	s21 =	sand.u32 $0xFFFFFC00, s21  }
0x49: {  	v58 =	vld [tilespmem:s16+$0xFFFFFFE0];
	s24 =	sshra.s32 s8, $0x1F;
	s20 =	sand.u32 $0x380, s20;
	[tilespmem:s17+$0x2850 ss:$0x81] =	vst.msk $0xffff, v3;
	s21 =	sadd.s32 s21, s22  }
0x4a: {  	v59 =	vld [tilespmem:s16+$0xFFFFFFF0];
	s26 =	ssub.s32 $0x0, s9;
	s18 =	sadd.s32 s19, s18;
	[tilespmem:s17+$0x3060 ss:$0x81] =	vst.msk $0xffff, v2;
	s23 =	sor.u32 s20, s21  }
0x4b: {  	v60 =	vld [tilespmem:s16+$0x0];
	s28 =	smin.u32 s9, s26;
	s20 =	smov.u32 s8;
	[tilespmem:s17+$0x0 ss:$0x81] =	vst.msk $0xffff, v0;
	s19 =	sshrl.u32 s23, $0x7  }
0x4c: {  	v61 =	vld [tilespmem:s16+$0x10];
	s21 =	sand.u32 s24, s8;
	s20 =	simm.s32 @!p1 $0x18620;
	[tilespmem:s18+$0x3870 ss:$0x81] =	vst.msk $0xffff, v1;
	s25 =	smulhi.u32 $0x14F8B59, s19  }
0x4d: {  	v62 =	vld [tilespmem:s16+$0x20];
	s29 =	sshrl.u32 s9, $0x3;
	p2 =	sgt.s32 s28, $0x7F;
	s20 =	ssub.s32 s20, s21;
	[tilespmem:s18+$0x810 ss:$0x81] =	vst.msk $0xffff, v5  }
0x4e: {  	v63 =	vld [tilespmem:s16+$0xFFFFFFC0];
	[tilespmem:s18+$0x1020 ss:$0x81] =	vst.msk $0xffff, v58;
	s21 =	sadd.s32 $0xFFFE79E0, s20;
	s20 =	ssub.s32 $0x186A0, s20;
	s17 =	sshrl.u32 s25, $0x9  }
0x4f: {  	[tilespmem:s18+$0x1830 ss:$0x81] =	vst.msk $0xffff, v59;
	p1 =	sgt.s32 s21, $0x7F;
	s27 =	smul.u32 $0x186A0, s17;
	s17 =	ssub.s32 $0x80, s28  }
.Ltmp4:
0x50: {  	[tilespmem:s18+$0x2040 ss:$0x81] =	vst.msk $0xffff, v60;
	s20 =	simm.s32 @p1 $0x0;
	s17 =	simm.s32 @p2 $0x0;
	(pc) =	sbr.rel .LBB1_5-.Ltmp4, $4  }
0x51: {  	s30 =	sand.u32 $0xF, s29;
	[tilespmem:s18+$0x2850 ss:$0x81] =	vst.msk $0xffff, v61;
	s16 =	ssub.s32 s19, s27;
	s17 =	smul.u32 s17, s20  }
0x52: {  	[tilespmem:s18+$0x3060 ss:$0x81] =	vst.msk $0xffff, v62;
	s19 =	sadd.s32 s2, s30;
	s16 =	sshll.u32 s16, $0x4  }
0x53: {  	s31 =	sand.u32 $0x7, s9;
	[tilespmem:s18+$0x0 ss:$0x81] =	vst.msk $0xffff, v63;
	s17 =	sand.u32 $0x3FFFFFFF, s17;
	s16 =	sadd.s32 s16, s19  }
0x54: {  	[hbm4b:s16+s31] =	stream.linear.scatter [tilespmem:s15], [sflag:$0x2], s17, $0x20;
	[tilespmem:$0x10100] =	vst v63  }
.LBB1_6:
0x55: {  	_ =	sfence.sel $0x180000  }
0x56: {  	s2 =	simm.s32 $0x1;
	[bflag:$0x0] =	sbarrier.arrive $0xFFFF  }
0x57: {  	s31 =	simm.s32 $0x2;
	[sflag:s2] =	ssyncpa.u1 $0x1  }
0x58: {  	[sflag:s31] =	ssyncpa.u1 $0x1  }
0x59: {  	p0 =	sne.s32 s1, $0x0;
	_ =	strace $0x90000047  }
0x5a: {  	s0 =	sadd.s32 @!p0 $0x100000, s0;
	[bflag:$0x2] =	sbarrier.arrive $0xFFFF  }
0x5b: {  	[sflag:s0] =	ssyncadd.tile.s32 @!p0 $0x1;
	_ =	shalt  }
.Lfunc_end1:
_tile_overlayer_lowered:
.L_overlay_start_2:
0x5c: {  	(tag) =	ssettag $0x2  }
0x5d: {  	s0 =	rddreg [dreg:$0x0];
	s2 =	stileid.u32  }
0x5e: {  	s1 =	rddreg [dreg:$0x1];
	p0 =	sne.s32 s2, $0x0  }
0x5f: {  	s3 =	rddreg [dreg:$0x2];
	[bflag:$0x3] =	sbarrier.arrive $0xFFFF;
	s2 =	simm.s32 @!p0 $0x1C01  }
0x60: {  	[timem:s3], [sflag:s2] =	dma.local @!p0 [hbm:s0], s1  }
0x61: {  	s0 =	simm.s32 @!p0 $0x1  }
0x62: {  	_ =	swait.ge @!p0 [sflag:s0], s1  }
0x63: {  	s1 =	ssub.s32 @!p0 $0x0, s1;
	[sflag:s0] =	ssyncset.done @!p0 $0x0  }
0x64: {  	[sflag:s0] =	ssyncadd.s32 @!p0 s1  }
0x65: {  	[bflag:$0x3] =	sbarrier.arrive $0xFFFF  }
0x66: {  	_ =	shalt  }

</sc_bundles>
